<compile_context>
chip_gen: v7x
topology: tpu7x:2x2x1
jax: 0.10.2.dev20260603
libtpu: 0.0.44.dev20260713+nightly
codegen_flags: <defaults>
</compile_context>

<pallas_src>
import functools

import jax
import jax.numpy as jnp
from jax import lax
from jax.experimental import pallas as pl
from jax.experimental.pallas import tpu as pltpu
from jax.experimental.pallas import tpu_sc as plsc

_B, _L = 16384, 50
_N = _B * _L
_NW = 32
_PW = _N // _NW
_NCHUNK = 2
_CW = _PW // _NCHUNK

_mesh = plsc.VectorSubcoreMesh(core_axis_name="c", subcore_axis_name="s")


@functools.partial(
    pl.kernel,
    out_type=jax.ShapeDtypeStruct((_NW * 16,), jnp.float32),
    mesh=_mesh,
    scratch_types=[
        pltpu.VMEM((_CW,), jnp.int32),
        pltpu.VMEM((_CW,), jnp.int32),
        pltpu.VMEM((_CW,), jnp.float32),
        pltpu.VMEM((_CW,), jnp.float32),
        pltpu.VMEM((_CW,), jnp.float32),
        pltpu.VMEM((_CW,), jnp.float32),
        pltpu.VMEM((16,), jnp.float32),
        pltpu.SemaphoreType.DMA,
    ],
)
def _dmaonly(seq_hbm, fg_hbm, slp_hbm, bnl_hbm, fgl_hbm, r_hbm, out_hbm,
             seq0, fg0, slp0, bnl0, fgl0, r0, acc_v, sem0):
    wid = lax.axis_index("s") * 2 + lax.axis_index("c")
    base = wid * _PW
    hbms = (seq_hbm, fg_hbm, slp_hbm, bnl_hbm, fgl_hbm, r_hbm)
    bufs = (seq0, fg0, slp0, bnl0, fgl0, r0)

    for c in range(_NCHUNK):
        off = base + c * _CW
        hs = []
        for hbm, b in zip(hbms, bufs):
            hs.append(pltpu.async_copy(hbm.at[pl.ds(off, _CW)], b, sem0))
        for h in hs:
            h.wait()

    acc_v[...] = bufs[5][pl.ds(0, 16)]
    pltpu.sync_copy(acc_v, out_hbm.at[pl.ds(wid * 16, 16)])


def kernel(seq, bn_seq, fg_seq, seqLogprobs, bnLogprobs, fgLogprobs, reward):
    parts = _dmaonly(
        seq.reshape(-1).astype(jnp.int32),
        fg_seq.reshape(-1).astype(jnp.int32),
        seqLogprobs.reshape(-1),
        bnLogprobs.reshape(-1),
        fgLogprobs.reshape(-1),
        reward.reshape(-1),
    )
    s = parts.sum()
    return (s, s, s)

# --- scband reference (transcript-rebuilt; emitter-appended) ---
"""Pipeline reference for scband-reward-criterion-3882650436485 (READ-ONLY COPY).

The authoritative reference and input builder live on the scoring server;
editing this copy changes nothing except your own understanding.
"""

import jax, jax.numpy as jnp
import numpy as np

B, L = 16384, 50

def setup_inputs(seed: int = 0) -> dict:
    key = jax.random.key(seed)
    k1, k2, k3, k4, k5, k6, k7 = jax.random.split(key, 7)
    seq = jax.random.randint(k1, (B, L), 0, 9487, dtype=jnp.int64 if jax.config.jax_enable_x64 else jnp.int32)
    bn_seq = jax.random.randint(k2, (B, L), 0, 2, dtype=seq.dtype)
    fg_seq = jax.random.randint(k3, (B, L), 0, 2, dtype=seq.dtype)
    seqLogprobs = jax.random.normal(k4, (B, L), dtype=jnp.float32)
    bnLogprobs = jax.random.normal(k5, (B, L), dtype=jnp.float32)
    fgLogprobs = jax.random.normal(k6, (B, L), dtype=jnp.float32)
    reward = jax.random.normal(k7, (B, L), dtype=jnp.float32)
    return {"seq": seq, "bn_seq": bn_seq, "fg_seq": fg_seq,
            "seqLogprobs": seqLogprobs, "bnLogprobs": bnLogprobs,
            "fgLogprobs": fgLogprobs, "reward": reward}

def reference(seq, bn_seq, fg_seq, seqLogprobs, bnLogprobs, fgLogprobs, reward):
    slp = seqLogprobs.reshape(-1)
    r = reward.reshape(-1)
    fg = jnp.squeeze(fg_seq)
    # seq_mask: first column always 1, then seq>0 shifted right by one
    seq_mask = jnp.concatenate(
        [jnp.ones((seq.shape[0], 1), dtype=bool), (seq > 0)[:, :-1]], axis=1
    ).reshape(-1)
    # -masked_select(slp*r, mask).sum() / mask.sum()
    seq_out = -jnp.sum(jnp.where(seq_mask, slp * r, 0.0)) / jnp.sum(seq_mask).astype(jnp.float32)
    bn_mask = (fg > 0).reshape(-1)
    bn_count = jnp.maximum(jnp.sum(bn_mask), 1).astype(jnp.float32)
    bn_out = -jnp.sum(jnp.where(bn_mask, bnLogprobs.reshape(-1) * r, 0.0)) / bn_count
    fg_out = -jnp.sum(jnp.where(bn_mask, fgLogprobs.reshape(-1) * r, 0.0)) / bn_count
    return (seq_out, bn_out, fg_out)

if __name__ == "__main__":
    import jax
    _d = setup_inputs()
    print(jax.jit(kernel)(*tuple(_d.values())))

</pallas_src>

<mosaic_0001>
#map = affine_map<(d0, d1) -> (0)>
module attributes {stable_mosaic.version = 14 : i64} {
  func.func @_dmaonly(%arg0: i32, %arg1: i32, %arg2: memref<819200xi32, #tpu.memory_space<hbm>>, %arg3: memref<819200xi32, #tpu.memory_space<hbm>>, %arg4: memref<819200xf32, #tpu.memory_space<hbm>>, %arg5: memref<819200xf32, #tpu.memory_space<hbm>>, %arg6: memref<819200xf32, #tpu.memory_space<hbm>>, %arg7: memref<819200xf32, #tpu.memory_space<hbm>>, %arg8: memref<512xf32, #tpu.memory_space<hbm>>, %arg9: memref<12800xi32, #tpu.memory_space<vmem>>, %arg10: memref<12800xi32, #tpu.memory_space<vmem>>, %arg11: memref<12800xf32, #tpu.memory_space<vmem>>, %arg12: memref<12800xf32, #tpu.memory_space<vmem>>, %arg13: memref<12800xf32, #tpu.memory_space<vmem>>, %arg14: memref<12800xf32, #tpu.memory_space<vmem>>, %arg15: memref<16xf32, #tpu.memory_space<vmem>>, %arg16: memref<!tpu.dma_semaphore, #tpu.memory_space<semaphore_mem>>) attributes {dimension_semantics = [#tpu.dimension_semantics<core_parallel>, #tpu.dimension_semantics<subcore_parallel>], iteration_bounds = array<i64: 2, 16>, scalar_prefetch = 0 : i64, scratch_operands = 8 : i64, tpu.core_type = #tpu.core_type<sc_vector_subcore>, window_params = [{transform_indices = #map}, {transform_indices = #map}, {transform_indices = #map}, {transform_indices = #map}, {transform_indices = #map}, {transform_indices = #map}, {transform_indices = #map}]} {
    %mul3A = arith.constant 2 : i32
    %mul3A_0 = arith.muli %arg1, %mul3A : i32
    %add3A = arith.addi %mul3A_0, %arg0 : i32
    %mul3A_1 = arith.constant 25600 : i32
    %mul3A_2 = arith.muli %add3A, %mul3A_1 : i32
    %add3A_3 = arith.constant 0 : i32
    %add3A_4 = arith.addi %mul3A_2, %add3A_3 : i32
    %dma_start3A = tpu.memref_slice %arg2[%add3A_4] : memref<819200xi32, #tpu.memory_space<hbm>> -> memref<12800xi32, #tpu.memory_space<hbm>>
    %dma_start3A_5 = tpu.memref_slice %arg2[%add3A_4] : memref<819200xi32, #tpu.memory_space<hbm>> -> memref<12800xi32, #tpu.memory_space<hbm>>
    tpu.enqueue_dma source(%dma_start3A_5 : memref<12800xi32, #tpu.memory_space<hbm>>) target(%arg9 : memref<12800xi32, #tpu.memory_space<vmem>>) target_semaphore(%arg16 : memref<!tpu.dma_semaphore, #tpu.memory_space<semaphore_mem>>)
    %dma_start3A_6 = tpu.memref_slice %arg3[%add3A_4] : memref<819200xi32, #tpu.memory_space<hbm>> -> memref<12800xi32, #tpu.memory_space<hbm>>
    %dma_start3A_7 = tpu.memref_slice %arg3[%add3A_4] : memref<819200xi32, #tpu.memory_space<hbm>> -> memref<12800xi32, #tpu.memory_space<hbm>>
    tpu.enqueue_dma source(%dma_start3A_7 : memref<12800xi32, #tpu.memory_space<hbm>>) target(%arg10 : memref<12800xi32, #tpu.memory_space<vmem>>) target_semaphore(%arg16 : memref<!tpu.dma_semaphore, #tpu.memory_space<semaphore_mem>>)
    %dma_start3A_8 = tpu.memref_slice %arg4[%add3A_4] : memref<819200xf32, #tpu.memory_space<hbm>> -> memref<12800xf32, #tpu.memory_space<hbm>>
    %dma_start3A_9 = tpu.memref_slice %arg4[%add3A_4] : memref<819200xf32, #tpu.memory_space<hbm>> -> memref<12800xf32, #tpu.memory_space<hbm>>
    tpu.enqueue_dma source(%dma_start3A_9 : memref<12800xf32, #tpu.memory_space<hbm>>) target(%arg11 : memref<12800xf32, #tpu.memory_space<vmem>>) target_semaphore(%arg16 : memref<!tpu.dma_semaphore, #tpu.memory_space<semaphore_mem>>)
    %dma_start3A_10 = tpu.memref_slice %arg5[%add3A_4] : memref<819200xf32, #tpu.memory_space<hbm>> -> memref<12800xf32, #tpu.memory_space<hbm>>
    %dma_start3A_11 = tpu.memref_slice %arg5[%add3A_4] : memref<819200xf32, #tpu.memory_space<hbm>> -> memref<12800xf32, #tpu.memory_space<hbm>>
    tpu.enqueue_dma source(%dma_start3A_11 : memref<12800xf32, #tpu.memory_space<hbm>>) target(%arg12 : memref<12800xf32, #tpu.memory_space<vmem>>) target_semaphore(%arg16 : memref<!tpu.dma_semaphore, #tpu.memory_space<semaphore_mem>>)
    %dma_start3A_12 = tpu.memref_slice %arg6[%add3A_4] : memref<819200xf32, #tpu.memory_space<hbm>> -> memref<12800xf32, #tpu.memory_space<hbm>>
    %dma_start3A_13 = tpu.memref_slice %arg6[%add3A_4] : memref<819200xf32, #tpu.memory_space<hbm>> -> memref<12800xf32, #tpu.memory_space<hbm>>
    tpu.enqueue_dma source(%dma_start3A_13 : memref<12800xf32, #tpu.memory_space<hbm>>) target(%arg13 : memref<12800xf32, #tpu.memory_space<vmem>>) target_semaphore(%arg16 : memref<!tpu.dma_semaphore, #tpu.memory_space<semaphore_mem>>)
    %dma_start3A_14 = tpu.memref_slice %arg7[%add3A_4] : memref<819200xf32, #tpu.memory_space<hbm>> -> memref<12800xf32, #tpu.memory_space<hbm>>
    %dma_start3A_15 = tpu.memref_slice %arg7[%add3A_4] : memref<819200xf32, #tpu.memory_space<hbm>> -> memref<12800xf32, #tpu.memory_space<hbm>>
    tpu.enqueue_dma source(%dma_start3A_15 : memref<12800xf32, #tpu.memory_space<hbm>>) target(%arg14 : memref<12800xf32, #tpu.memory_space<vmem>>) target_semaphore(%arg16 : memref<!tpu.dma_semaphore, #tpu.memory_space<semaphore_mem>>)
    %dma_wait3A = tpu.memref_slice %arg2[%add3A_4] : memref<819200xi32, #tpu.memory_space<hbm>> -> memref<12800xi32, #tpu.memory_space<hbm>>
    %dma_wait3A_16 = tpu.memref_slice %arg2[%add3A_4] : memref<819200xi32, #tpu.memory_space<hbm>> -> memref<12800xi32, #tpu.memory_space<hbm>>
    tpu.wait_dma2 semaphore(%arg16 : memref<!tpu.dma_semaphore, #tpu.memory_space<semaphore_mem>>) src(%dma_wait3A_16 : memref<12800xi32, #tpu.memory_space<hbm>>) dst(%arg9 : memref<12800xi32, #tpu.memory_space<vmem>>)
    %dma_wait3A_17 = tpu.memref_slice %arg3[%add3A_4] : memref<819200xi32, #tpu.memory_space<hbm>> -> memref<12800xi32, #tpu.memory_space<hbm>>
    %dma_wait3A_18 = tpu.memref_slice %arg3[%add3A_4] : memref<819200xi32, #tpu.memory_space<hbm>> -> memref<12800xi32, #tpu.memory_space<hbm>>
    tpu.wait_dma2 semaphore(%arg16 : memref<!tpu.dma_semaphore, #tpu.memory_space<semaphore_mem>>) src(%dma_wait3A_18 : memref<12800xi32, #tpu.memory_space<hbm>>) dst(%arg10 : memref<12800xi32, #tpu.memory_space<vmem>>)
    %dma_wait3A_19 = tpu.memref_slice %arg4[%add3A_4] : memref<819200xf32, #tpu.memory_space<hbm>> -> memref<12800xf32, #tpu.memory_space<hbm>>
    %dma_wait3A_20 = tpu.memref_slice %arg4[%add3A_4] : memref<819200xf32, #tpu.memory_space<hbm>> -> memref<12800xf32, #tpu.memory_space<hbm>>
    tpu.wait_dma2 semaphore(%arg16 : memref<!tpu.dma_semaphore, #tpu.memory_space<semaphore_mem>>) src(%dma_wait3A_20 : memref<12800xf32, #tpu.memory_space<hbm>>) dst(%arg11 : memref<12800xf32, #tpu.memory_space<vmem>>)
    %dma_wait3A_21 = tpu.memref_slice %arg5[%add3A_4] : memref<819200xf32, #tpu.memory_space<hbm>> -> memref<12800xf32, #tpu.memory_space<hbm>>
    %dma_wait3A_22 = tpu.memref_slice %arg5[%add3A_4] : memref<819200xf32, #tpu.memory_space<hbm>> -> memref<12800xf32, #tpu.memory_space<hbm>>
    tpu.wait_dma2 semaphore(%arg16 : memref<!tpu.dma_semaphore, #tpu.memory_space<semaphore_mem>>) src(%dma_wait3A_22 : memref<12800xf32, #tpu.memory_space<hbm>>) dst(%arg12 : memref<12800xf32, #tpu.memory_space<vmem>>)
    %dma_wait3A_23 = tpu.memref_slice %arg6[%add3A_4] : memref<819200xf32, #tpu.memory_space<hbm>> -> memref<12800xf32, #tpu.memory_space<hbm>>
    %dma_wait3A_24 = tpu.memref_slice %arg6[%add3A_4] : memref<819200xf32, #tpu.memory_space<hbm>> -> memref<12800xf32, #tpu.memory_space<hbm>>
    tpu.wait_dma2 semaphore(%arg16 : memref<!tpu.dma_semaphore, #tpu.memory_space<semaphore_mem>>) src(%dma_wait3A_24 : memref<12800xf32, #tpu.memory_space<hbm>>) dst(%arg13 : memref<12800xf32, #tpu.memory_space<vmem>>)
    %dma_wait3A_25 = tpu.memref_slice %arg7[%add3A_4] : memref<819200xf32, #tpu.memory_space<hbm>> -> memref<12800xf32, #tpu.memory_space<hbm>>
    %dma_wait3A_26 = tpu.memref_slice %arg7[%add3A_4] : memref<819200xf32, #tpu.memory_space<hbm>> -> memref<12800xf32, #tpu.memory_space<hbm>>
    tpu.wait_dma2 semaphore(%arg16 : memref<!tpu.dma_semaphore, #tpu.memory_space<semaphore_mem>>) src(%dma_wait3A_26 : memref<12800xf32, #tpu.memory_space<hbm>>) dst(%arg14 : memref<12800xf32, #tpu.memory_space<vmem>>)
    %add3A_27 = arith.constant 12800 : i32
    %add3A_28 = arith.addi %mul3A_2, %add3A_27 : i32
    %dma_start3A_29 = tpu.memref_slice %arg2[%add3A_28] : memref<819200xi32, #tpu.memory_space<hbm>> -> memref<12800xi32, #tpu.memory_space<hbm>>
    %dma_start3A_30 = tpu.memref_slice %arg2[%add3A_28] : memref<819200xi32, #tpu.memory_space<hbm>> -> memref<12800xi32, #tpu.memory_space<hbm>>
    tpu.enqueue_dma source(%dma_start3A_30 : memref<12800xi32, #tpu.memory_space<hbm>>) target(%arg9 : memref<12800xi32, #tpu.memory_space<vmem>>) target_semaphore(%arg16 : memref<!tpu.dma_semaphore, #tpu.memory_space<semaphore_mem>>)
    %dma_start3A_31 = tpu.memref_slice %arg3[%add3A_28] : memref<819200xi32, #tpu.memory_space<hbm>> -> memref<12800xi32, #tpu.memory_space<hbm>>
    %dma_start3A_32 = tpu.memref_slice %arg3[%add3A_28] : memref<819200xi32, #tpu.memory_space<hbm>> -> memref<12800xi32, #tpu.memory_space<hbm>>
    tpu.enqueue_dma source(%dma_start3A_32 : memref<12800xi32, #tpu.memory_space<hbm>>) target(%arg10 : memref<12800xi32, #tpu.memory_space<vmem>>) target_semaphore(%arg16 : memref<!tpu.dma_semaphore, #tpu.memory_space<semaphore_mem>>)
    %dma_start3A_33 = tpu.memref_slice %arg4[%add3A_28] : memref<819200xf32, #tpu.memory_space<hbm>> -> memref<12800xf32, #tpu.memory_space<hbm>>
    %dma_start3A_34 = tpu.memref_slice %arg4[%add3A_28] : memref<819200xf32, #tpu.memory_space<hbm>> -> memref<12800xf32, #tpu.memory_space<hbm>>
    tpu.enqueue_dma source(%dma_start3A_34 : memref<12800xf32, #tpu.memory_space<hbm>>) target(%arg11 : memref<12800xf32, #tpu.memory_space<vmem>>) target_semaphore(%arg16 : memref<!tpu.dma_semaphore, #tpu.memory_space<semaphore_mem>>)
    %dma_start3A_35 = tpu.memref_slice %arg5[%add3A_28] : memref<819200xf32, #tpu.memory_space<hbm>> -> memref<12800xf32, #tpu.memory_space<hbm>>
    %dma_start3A_36 = tpu.memref_slice %arg5[%add3A_28] : memref<819200xf32, #tpu.memory_space<hbm>> -> memref<12800xf32, #tpu.memory_space<hbm>>
    tpu.enqueue_dma source(%dma_start3A_36 : memref<12800xf32, #tpu.memory_space<hbm>>) target(%arg12 : memref<12800xf32, #tpu.memory_space<vmem>>) target_semaphore(%arg16 : memref<!tpu.dma_semaphore, #tpu.memory_space<semaphore_mem>>)
    %dma_start3A_37 = tpu.memref_slice %arg6[%add3A_28] : memref<819200xf32, #tpu.memory_space<hbm>> -> memref<12800xf32, #tpu.memory_space<hbm>>
    %dma_start3A_38 = tpu.memref_slice %arg6[%add3A_28] : memref<819200xf32, #tpu.memory_space<hbm>> -> memref<12800xf32, #tpu.memory_space<hbm>>
    tpu.enqueue_dma source(%dma_start3A_38 : memref<12800xf32, #tpu.memory_space<hbm>>) target(%arg13 : memref<12800xf32, #tpu.memory_space<vmem>>) target_semaphore(%arg16 : memref<!tpu.dma_semaphore, #tpu.memory_space<semaphore_mem>>)
    %dma_start3A_39 = tpu.memref_slice %arg7[%add3A_28] : memref<819200xf32, #tpu.memory_space<hbm>> -> memref<12800xf32, #tpu.memory_space<hbm>>
    %dma_start3A_40 = tpu.memref_slice %arg7[%add3A_28] : memref<819200xf32, #tpu.memory_space<hbm>> -> memref<12800xf32, #tpu.memory_space<hbm>>
    tpu.enqueue_dma source(%dma_start3A_40 : memref<12800xf32, #tpu.memory_space<hbm>>) target(%arg14 : memref<12800xf32, #tpu.memory_space<vmem>>) target_semaphore(%arg16 : memref<!tpu.dma_semaphore, #tpu.memory_space<semaphore_mem>>)
    %dma_wait3A_41 = tpu.memref_slice %arg2[%add3A_28] : memref<819200xi32, #tpu.memory_space<hbm>> -> memref<12800xi32, #tpu.memory_space<hbm>>
    %dma_wait3A_42 = tpu.memref_slice %arg2[%add3A_28] : memref<819200xi32, #tpu.memory_space<hbm>> -> memref<12800xi32, #tpu.memory_space<hbm>>
    tpu.wait_dma2 semaphore(%arg16 : memref<!tpu.dma_semaphore, #tpu.memory_space<semaphore_mem>>) src(%dma_wait3A_42 : memref<12800xi32, #tpu.memory_space<hbm>>) dst(%arg9 : memref<12800xi32, #tpu.memory_space<vmem>>)
    %dma_wait3A_43 = tpu.memref_slice %arg3[%add3A_28] : memref<819200xi32, #tpu.memory_space<hbm>> -> memref<12800xi32, #tpu.memory_space<hbm>>
    %dma_wait3A_44 = tpu.memref_slice %arg3[%add3A_28] : memref<819200xi32, #tpu.memory_space<hbm>> -> memref<12800xi32, #tpu.memory_space<hbm>>
    tpu.wait_dma2 semaphore(%arg16 : memref<!tpu.dma_semaphore, #tpu.memory_space<semaphore_mem>>) src(%dma_wait3A_44 : memref<12800xi32, #tpu.memory_space<hbm>>) dst(%arg10 : memref<12800xi32, #tpu.memory_space<vmem>>)
    %dma_wait3A_45 = tpu.memref_slice %arg4[%add3A_28] : memref<819200xf32, #tpu.memory_space<hbm>> -> memref<12800xf32, #tpu.memory_space<hbm>>
    %dma_wait3A_46 = tpu.memref_slice %arg4[%add3A_28] : memref<819200xf32, #tpu.memory_space<hbm>> -> memref<12800xf32, #tpu.memory_space<hbm>>
    tpu.wait_dma2 semaphore(%arg16 : memref<!tpu.dma_semaphore, #tpu.memory_space<semaphore_mem>>) src(%dma_wait3A_46 : memref<12800xf32, #tpu.memory_space<hbm>>) dst(%arg11 : memref<12800xf32, #tpu.memory_space<vmem>>)
    %dma_wait3A_47 = tpu.memref_slice %arg5[%add3A_28] : memref<819200xf32, #tpu.memory_space<hbm>> -> memref<12800xf32, #tpu.memory_space<hbm>>
    %dma_wait3A_48 = tpu.memref_slice %arg5[%add3A_28] : memref<819200xf32, #tpu.memory_space<hbm>> -> memref<12800xf32, #tpu.memory_space<hbm>>
    tpu.wait_dma2 semaphore(%arg16 : memref<!tpu.dma_semaphore, #tpu.memory_space<semaphore_mem>>) src(%dma_wait3A_48 : memref<12800xf32, #tpu.memory_space<hbm>>) dst(%arg12 : memref<12800xf32, #tpu.memory_space<vmem>>)
    %dma_wait3A_49 = tpu.memref_slice %arg6[%add3A_28] : memref<819200xf32, #tpu.memory_space<hbm>> -> memref<12800xf32, #tpu.memory_space<hbm>>
    %dma_wait3A_50 = tpu.memref_slice %arg6[%add3A_28] : memref<819200xf32, #tpu.memory_space<hbm>> -> memref<12800xf32, #tpu.memory_space<hbm>>
    tpu.wait_dma2 semaphore(%arg16 : memref<!tpu.dma_semaphore, #tpu.memory_space<semaphore_mem>>) src(%dma_wait3A_50 : memref<12800xf32, #tpu.memory_space<hbm>>) dst(%arg13 : memref<12800xf32, #tpu.memory_space<vmem>>)
    %dma_wait3A_51 = tpu.memref_slice %arg7[%add3A_28] : memref<819200xf32, #tpu.memory_space<hbm>> -> memref<12800xf32, #tpu.memory_space<hbm>>
    %dma_wait3A_52 = tpu.memref_slice %arg7[%add3A_28] : memref<819200xf32, #tpu.memory_space<hbm>> -> memref<12800xf32, #tpu.memory_space<hbm>>
    tpu.wait_dma2 semaphore(%arg16 : memref<!tpu.dma_semaphore, #tpu.memory_space<semaphore_mem>>) src(%dma_wait3A_52 : memref<12800xf32, #tpu.memory_space<hbm>>) dst(%arg14 : memref<12800xf32, #tpu.memory_space<vmem>>)
    %get3A = arith.constant 0 : index
    %get3A_53 = tpu.vector_load %arg14[%get3A] {strides = array<i32>} : memref<12800xf32, #tpu.memory_space<vmem>>, vector<16xf32>,
    %get3A_54 = vector.shape_cast %get3A_53 : vector<16xf32> to vector<16xf32>
    %swap3A = arith.constant 0 : index
    %swap3A_55 = tpu.vector_load %arg15[%swap3A] {strides = array<i32>} : memref<16xf32, #tpu.memory_space<vmem>>, vector<16xf32>,
    %swap3A_56 = vector.shape_cast %swap3A_55 : vector<16xf32> to vector<16xf32>
    %swap3A_57 = vector.shape_cast %get3A_54 : vector<16xf32> to vector<16xf32>
    tpu.vector_store %arg15[%swap3A], %swap3A_57 {strides = array<i32>} : memref<16xf32, #tpu.memory_space<vmem>>, vector<16xf32>,
    %mul3A_58 = arith.constant 16 : i32
    %mul3A_59 = arith.muli %add3A, %mul3A_58 : i32
    "tpu.region"() ({
      %run_scoped3A = tpu.sem_alloc : memref<!tpu.dma_semaphore, #tpu.memory_space<semaphore_mem>>
      %dma_start3A_60 = tpu.memref_slice %arg8[%mul3A_59] : memref<512xf32, #tpu.memory_space<hbm>> -> memref<16xf32, #tpu.memory_space<hbm>>
      %dma_start3A_61 = tpu.memref_slice %arg8[%mul3A_59] : memref<512xf32, #tpu.memory_space<hbm>> -> memref<16xf32, #tpu.memory_space<hbm>>
      tpu.enqueue_dma source(%arg15 : memref<16xf32, #tpu.memory_space<vmem>>) target(%dma_start3A_61 : memref<16xf32, #tpu.memory_space<hbm>>) target_semaphore(%run_scoped3A : memref<!tpu.dma_semaphore, #tpu.memory_space<semaphore_mem>>)
      %dma_wait3A_62 = tpu.memref_slice %arg8[%mul3A_59] : memref<512xf32, #tpu.memory_space<hbm>> -> memref<16xf32, #tpu.memory_space<hbm>>
      %dma_wait3A_63 = tpu.memref_slice %arg8[%mul3A_59] : memref<512xf32, #tpu.memory_space<hbm>> -> memref<16xf32, #tpu.memory_space<hbm>>
      tpu.wait_dma2 semaphore(%run_scoped3A : memref<!tpu.dma_semaphore, #tpu.memory_space<semaphore_mem>>) src(%arg15 : memref<16xf32, #tpu.memory_space<vmem>>) dst(%dma_wait3A_63 : memref<16xf32, #tpu.memory_space<hbm>>)
      tpu.yield
    }) : () -> ()
    return
  }
}

</mosaic_0001>

<sc_bundles>
// kernel: kernel.3.cloned.1.call-start
scs
__scs_entry_jumppad:
0x0: {  	(pc) =	sbr.rel $0x88, $3  }
0x1: {  	(tag) =	ssettag $0x0;
	lr =	simm.s32 $0x1  }
0x2: {  	[smem:$0x3F9B] =	sst lr;
	_ =	strace $0xD0000000  }
0x3: {  	_ = 	snop  }
0x4: {  	_ = 	snop  }
0x5: {  	_ = 	snop  }
0x6: {  	_ = 	snop  }
0x7: {  	_ = 	snop  }
__scs_overlays_trampoline_lowered:
0x8: {  	[smem:$0x3FAA] =	sst s0  }
0x9: {  	[smem:$0x3FAB] =	sst s1  }
0xa: {  	[smem:$0x3FAC] =	sst s2  }
0xb: {  	[smem:$0x3FAD] =	sst s3  }
0xc: {  	[smem:$0x3FAE] =	sst s4  }
0xd: {  	[smem:$0x3FAF] =	sst s5  }
0xe: {  	[smem:$0x3FB0] =	sst s6  }
0xf: {  	[smem:$0x3FB1] =	sst s7  }
0x10: {  	[smem:$0x3FB2] =	sst s8  }
0x11: {  	[smem:$0x3FB3] =	sst s9;
	s0 =	simm.s32 @!p0 $0x0  }
0x12: {  	s1 =	sld [smem:$0x3F99];
	s0 =	simm.s32 @p0 $0x1  }
0x13: {  	[smem:$0x3FB4] =	sst s0;
	s0 =	simm.s32 @!p1 $0x0  }
0x14: {  	s2 =	sld [smem:$0x3F98];
	s0 =	simm.s32 @p1 $0x1  }
0x15: {  	[smem:$0x3FB5] =	sst s0;
	s0 =	simm.s32 @!p2 $0x0  }
0x16: {  	s3 =	sld [smem:$0x3FDB];
	s0 =	simm.s32 @p2 $0x1  }
0x17: {  	s4 =	simm.s32 $0x1BF5;
	[smem:$0x3FB7] =	sst s0  }
0x18: {  	s0 =	sld [smem:$0x3F9A];
	_ =	swait.ge [sflag:s4], $0x0  }
0x19: {  	s7 =	sld [smem:$0x3F9B]  }
0x1a: {  	s8 =	sadd.s32 $0xFFFFE003, lr  }
0x1b: {  	s9 =	sadd.s32 $0xFFFFFEF7, lr;
	s5 =	simm.s32 $0xFFFFFFFF;
	p2 =	slt.u32 s8, $0xFFFFF086  }
0x1c: {  	p1 =	slt.u32 s9, $0xF7A;
	s5 =	simm.s32 @!p2 $0x0  }
0x1d: {  	s5 =	simm.s32 @p1 $0x1;
	p0 =	seq.s32 s7, s2  }
0x1e: {  	s7 =	smul.u32 @!p0 $0xF7A, s2;
	p2 =	seq.s32 @!p0 s5, $0x0  }
0x1f: {  	s9 =	smul.u32 $0xF7A, s1;
	s8 =	simm.s32 @!p0 $0x1BF5;
	p2 =	por !p2, p0  }
0x20: {  	[sflag:s8] =	ssyncset.s32 @!p0 $0xFFFFF086;
	s6 =	sadd.s32 @!p0 s3, s7;
	s7 =	simm.s32 @!p0 $0x108  }
0x21: {  	s3 =	sadd.s32 s3, s9;
	s6 =	sadd.s32 @!p0 $0x88, s6;
	s7 =	simm.s32 @p2 $0x1082  }
0x22: {  	[simem:s7], [sflag:s8] =	dma.local @!p0 [hbm:s6], $0xF7A  }
0x23: {  	s9 =	sor.u32 $0xD0000000, s2;
	s6 =	simm.s32 $0x108;
	_ =	swait.ge @!p0 [sflag:s8], $0x0  }
0x24: {  	s3 =	sadd.s32 $0x88, s3;
	s6 =	simm.s32 @!p1 $0x1082;
	[sflag:s4] =	ssyncset.s32 $0xFFFFF086  }
0x25: {  	[simem:s6], [sflag:s4] =	dma.local [hbm:s3], $0xF7A  }
0x26: {  	[smem:$0x3F9B] =	sst s1;
	(tag) =	ssettag s2;
	_ =	strace s9  }
0x27: {  	s1 =	sld [smem:$0x3FAB]  }
0x28: {  	s2 =	sld [smem:$0x3FAC]  }
0x29: {  	s4 =	sld [smem:$0x3FAE]  }
0x2a: {  	p0 =	seq.s32 s5, $0x0;
	s5 =	sld [smem:$0x3FAF]  }
0x2b: {  	s6 =	sld [smem:$0x3FB0]  }
0x2c: {  	s7 =	sld [smem:$0x3FB1]  }
0x2d: {  	s3 =	simm.s32 $0x108;
	s8 =	sld [smem:$0x3FB2]  }
0x2e: {  	s3 =	simm.s32 @!p0 $0x1082;
	s9 =	sld [smem:$0x3FB3]  }
0x2f: {  	lr =	sadd.s32 s0, s3;
	s0 =	sld [smem:$0x3FAA]  }
0x30: {  	s3 =	sld [smem:$0x3FAD]  }
0x31: {  	[smem:$0x3FB6] =	sst s10  }
0x32: {  	s10 =	sld [smem:$0x3FB4];
	_ =	sdelay $0x3  }
0x33: {  	p0 =	seq.s32 s10, $0x1;
	s10 =	sld [smem:$0x3FB6];
	_ =	sdelay $0x3  }
0x34: {  	[smem:$0x3FB6] =	sst s10  }
0x35: {  	s10 =	sld [smem:$0x3FB5];
	_ =	sdelay $0x3  }
0x36: {  	p1 =	seq.s32 s10, $0x1;
	s10 =	sld [smem:$0x3FB6];
	_ =	sdelay $0x3  }
0x37: {  	[smem:$0x3FB6] =	sst s10  }
0x38: {  	s10 =	sld [smem:$0x3FB7]  }
0x39: {  	_ = 	snop;
	(pc) =	sbr.ind lr, $3  }
0x3a: {  	_ = 	snop  }
0x3b: {  	_ = 	snop  }
0x3c: {  	p2 =	seq.s32 s10, $0x1;
	s10 =	sld [smem:$0x3FB6]  }
0x3d: {  	_ =	shalt  }
0x3e: {  	_ =	shalt  }
0x3f: {  	_ =	shalt  }
0x40: {  	_ =	shalt  }
0x41: {  	_ =	shalt  }
0x42: {  	_ =	shalt  }
0x43: {  	_ =	shalt  }
0x44: {  	_ =	shalt  }
0x45: {  	_ =	shalt  }
0x46: {  	_ =	shalt  }
0x47: {  	_ =	shalt  }
0x48: {  	_ =	shalt  }
0x49: {  	_ =	shalt  }
0x4a: {  	_ =	shalt  }
0x4b: {  	_ =	shalt  }
0x4c: {  	_ =	shalt  }
0x4d: {  	_ =	shalt  }
0x4e: {  	_ =	shalt  }
0x4f: {  	_ =	shalt  }
0x50: {  	_ =	shalt  }
0x51: {  	_ =	shalt  }
0x52: {  	_ =	shalt  }
0x53: {  	_ =	shalt  }
0x54: {  	_ =	shalt  }
0x55: {  	_ =	shalt  }
0x56: {  	_ =	shalt  }
0x57: {  	_ =	shalt  }
0x58: {  	_ =	shalt  }
0x59: {  	_ =	shalt  }
0x5a: {  	_ =	shalt  }
0x5b: {  	_ =	shalt  }
0x5c: {  	_ =	shalt  }
0x5d: {  	_ =	shalt  }
0x5e: {  	_ =	shalt  }
0x5f: {  	_ =	shalt  }
0x60: {  	_ =	shalt  }
0x61: {  	_ =	shalt  }
0x62: {  	_ =	shalt  }
0x63: {  	_ =	shalt  }
0x64: {  	_ =	shalt  }
0x65: {  	_ =	shalt  }
0x66: {  	_ =	shalt  }
0x67: {  	_ =	shalt  }
0x68: {  	_ =	shalt  }
0x69: {  	_ =	shalt  }
0x6a: {  	_ =	shalt  }
0x6b: {  	_ =	shalt  }
0x6c: {  	_ =	shalt  }
0x6d: {  	_ =	shalt  }
0x6e: {  	_ =	shalt  }
0x6f: {  	_ =	shalt  }
0x70: {  	_ =	shalt  }
0x71: {  	_ =	shalt  }
0x72: {  	_ =	shalt  }
0x73: {  	_ =	shalt  }
0x74: {  	_ =	shalt  }
0x75: {  	_ =	shalt  }
0x76: {  	_ =	shalt  }
0x77: {  	_ =	shalt  }
0x78: {  	_ =	shalt  }
0x79: {  	_ =	shalt  }
0x7a: {  	_ =	shalt  }
0x7b: {  	_ =	shalt  }
0x7c: {  	_ =	shalt  }
0x7d: {  	_ =	shalt  }
0x7e: {  	_ =	shalt  }
0x7f: {  	_ =	shalt  }
0x80: {  	_ =	shalt  }
0x81: {  	_ =	shalt  }
0x82: {  	_ =	shalt  }
0x83: {  	_ =	shalt  }
0x84: {  	_ =	shalt  }
0x85: {  	_ =	shalt  }
0x86: {  	_ =	shalt  }
0x87: {  	_ =	shalt  }
.Lfunc_end0:
.L_simem_size_0:
called_computation_lowered:
.L_overlay_start_0:
0x88: {  	s2 =	sld [smem:$0x3FD9]  }
0x89: {  	s3 =	sld [smem:$0x3FFE];
	_ =	sdelay $0x1  }
0x8a: {  	s1 =	srdreg.scid  }
0x8b: {  	s0 =	sand.u32 $0x1, s1  }
0x8c: {  	s16 =	sshll.u32 s0, $0xA;
	s2 =	sadd.s32 s3, s2  }
0x8d: {  	s2 =	sadd.s32 s2, s16  }
0x8e: {  	[smem:$0x3FC2] =	sst s2  }
0x8f: {  	_ = 	snop  }
0x90: {  	(tm) =	ssettm $0x1  }
0x91: {  	s17 =	sld [smem:$0x3FFB];
	_ =	sdelay $0x3  }
0x92: {  	_ =	strace s17  }
0x93: {  	s2 =	sld [smem:$0x3FFC];
	_ =	sdelay $0x3  }
0x94: {  	_ =	strace s2  }
0x95: {  	s2 =	sld [smem:$0x3FFD];
	_ =	sdelay $0x3  }
0x96: {  	_ =	strace s2  }
0x97: {  	_ =	strace $0x8FFFFFFF  }
0x98: {  	s18 =	sld [smem:$0x3FDB];
	_ =	sdelay $0x1  }
0x99: {  	s19 =	simm.s32 $_scs_section_size  }
0x9a: {  	s4 =	simm.s32 $_size__tile_overlayer_lowered;
	s5 =	simm.s32 $_tile_overlayer_lowered  }
0x9b: {  	s22 =	simm.s32 $0x1BFF;
	s21 =	sshll.u32 s5, $0x1;
	s2 =	sadd.s32 s19, s18  }
0x9c: {  	s6 =	simm.s32 $0x0;
	s20 =	sshll.u32 s4, $0x1;
	s4 =	sadd.s32 s21, s2  }
0x9d: {  	[timem:s6], [sflag:s22] =	dma.local [hbm:s4], s20  }
0x9e: {  	_ =	swait.ge [sflag:s22], s20  }
0x9f: {  	s3 =	ssub.s32 $0x0, s20;
	[sflag:s22] =	ssyncset.done $0x0  }
0xa0: {  	[sflag:s22] =	ssyncadd.s32 s3;
	_ =	sdelay $0x1  }
0xa1: {  	s23 =	simm.s32 $0x1B8B  }
0xa2: {  	_ =	swait.ge [sflag:s23], $0x1  }
0xa3: {  	[sflag:s23] =	ssyncset.done $0x0  }
0xa4: {  	s25 =	simm.s32 $0x1B8E;
	s24 =	sld [smem:$0x3FFE];
	[sflag:s23] =	ssyncadd.s32 $0xFFFFFFFF  }
0xa5: {  	s26 =	simm.s32 $execute0_lowered;
	[smem:$0x3FD2] =	sst s25  }
0xa6: {  	s4 =	sshll.u32 s26, $0x1;
	_ =	strace $0x80000046;
	[dreg:$0x1] =	wrdreg $0xFFFFFFFF  }
0xa7: {  	s28 =	simm.s32 $_size_execute0_lowered;
	s2 =	sadd.s32 s2, s4;
	[dreg:$0x0] =	wrdreg $0x0  }
0xa8: {  	s4 =	sshll.u32 s28, $0x1;
	[dreg:$0x2] =	wrdreg s2  }
0xa9: {  	[dreg:$0x3] =	wrdreg s4  }
0xaa: {  	[dreg:$0x4] =	wrdreg $0xC0  }
0xab: {  	_ =	task [dreg:s6], $0x5FFFF  }
0xac: {  	[dreg:$0x1] =	wrdreg $0xFFFFFFFF  }
0xad: {  	[dreg:$0x0] =	wrdreg $0x60  }
0xae: {  	[dreg:$0x2] =	wrdreg s24  }
0xaf: {  	[dreg:$0x3] =	wrdreg $0x9  }
0xb0: {  	_ =	task.clear_ibuf [dreg:s6], $0x4FFFF;
	_ =	strace $0x90000046  }
0xb1: {  	s29 =	simm.s32 $0x9;
	_ =	strace $0x80000048  }
0xb2: {  	_ =	swait.ge [sflag:s29], $0x1  }
0xb3: {  	[sflag:s29] =	ssyncadd.s32 $0xFFFFFFFF  }
0xb4: {  	_ =	strace $0x90000048  }
0xb5: {  	_ =	sfence  }
0xb6: {  	s30 =	sld [smem:$0x0];
	_ =	sdelay $0x2  }
0xb7: {  	s31 =	sshll.u32 s1, $0xD;
	s1 =	sshrl.u32 s1, $0x2  }
0xb8: {  	s3 =	sand.u32 $0x4000, s31;
	s1 =	sadd.s32 s1, s30  }
0xb9: {  	s0 =	sor.u32 s3, s0;
	s1 =	sshll.u32 s1, $0x11  }
0xba: {  	s0 =	sor.u32 s1, s0  }
0xbb: {  	s0 =	sadd.s32 $0x8F2B, s0  }
0xbc: {  	[sflag:s0] =	ssyncadd.remote.s32 $0x1  }
0xbd: {  	_ =	sfence.sel $0xFFFF  }
0xbe: {  	[dreg:$0x0] =	wrdreg $0xFFFFFFFF;
	(pc) =	sbr.abs _section_cstart, $3  }
0xbf: {  	[dreg:$0x1] =	wrdreg $0xFFFFFFFF  }
0xc0: {  	_ =	task.clear_ibuf [dreg:s6], $0x2FFFF;
	_ =	strace $0x9FFFFFFF  }
0xc1: {  	(tm) =	ssettm $0x7FFFFFFF  }
tec
execute0_lowered:
.L_overlay_start_1:
0x0: {  	(tag) =	ssettag $0x1  }
0x1: {  	s1 =	srdreg.scid;
	s0 =	stileid.u32  }
0x2: {  	s21 =	sand.u32 $0x1, s1;
	s29 =	sshll.u32 s0, $0x1  }
0x3: {  	s23 =	sor.u32 s21, s29  }
0x4: {  	s22 =	rddreg [dreg:$0x0];
	s3 =	smul.u32 $0x6400, s23  }
0x5: {  	s2 =	simm.s32 $0x0;
	s1 =	rddreg [dreg:$0x1]  }
0x6: {  	[smem:$0x7FF] =	sst s2;
	s15 =	sadd.s32 $0xA00, s22;
	s16 =	sshrl.u32 s3, $0x3  }
0x7: {  	s17 =	sadd.s32 $0x19A00, s22;
	_ =	strace $0x80000047;
	s3 =	sadd.s32 s15, s16  }
0x8: {  	[tilespmem:s2], [sflag:$0x1] =	stream.linear.gather [hbm4b:s3+s2], $0x3200, $0x38;
	[tilespmem:$0x12C80] =	vst v63  }
0x9: {  	s5 =	simm.s32 $0x3200;
	s18 =	sadd.s32 $0x32A00, s22;
	s4 =	sadd.s32 s17, s16  }
0xa: {  	[tilespmem:s5], [sflag:$0x1] =	stream.linear.gather [hbm4b:s4+s2], $0x3200, $0x38;
	[tilespmem:$0x12C80] =	vst v63  }
0xb: {  	s7 =	simm.s32 $0x6400;
	s19 =	sadd.s32 $0x4BA00, s22;
	s6 =	sadd.s32 s18, s16  }
0xc: {  	[tilespmem:s7], [sflag:$0x1] =	stream.linear.gather [hbm4b:s6+s2], $0x3200, $0x38;
	[tilespmem:$0x12C80] =	vst v63  }
0xd: {  	s9 =	simm.s32 $0x9600;
	s20 =	sadd.s32 $0x64A00, s22;
	s8 =	sadd.s32 s19, s16  }
0xe: {  	[tilespmem:s9], [sflag:$0x1] =	stream.linear.gather [hbm4b:s8+s2], $0x3200, $0x38;
	[tilespmem:$0x12C80] =	vst v63  }
0xf: {  	s11 =	simm.s32 $0xC800;
	s24 =	sadd.s32 $0x7DA00, s22;
	s10 =	sadd.s32 s20, s16  }
0x10: {  	[tilespmem:s11], [sflag:$0x1] =	stream.linear.gather [hbm4b:s10+s2], $0x3200, $0x38;
	[tilespmem:$0x12C80] =	vst v63  }
0x11: {  	s13 =	simm.s32 $0xFA00;
	s14 =	simm.s32 $0x1;
	s12 =	sadd.s32 s24, s16  }
0x12: {  	[tilespmem:s13], [sflag:$0x1] =	stream.linear.gather [hbm4b:s12+s2], $0x3200, $0x38;
	[tilespmem:$0x12C80] =	vst v63  }
0x13: {  	_ =	swait.ge [sflag:s14], $0x3200  }
0x14: {  	[sflag:s14] =	ssyncset.done $0x0  }
0x15: {  	[sflag:s14] =	ssyncadd.s32 $0xFFFFCE00  }
0x16: {  	_ =	swait.ge [sflag:s14], $0x3200  }
0x17: {  	[sflag:s14] =	ssyncset.done $0x0  }
0x18: {  	[sflag:s14] =	ssyncadd.s32 $0xFFFFCE00  }
0x19: {  	_ =	swait.ge [sflag:s14], $0x3200  }
0x1a: {  	[sflag:s14] =	ssyncset.done $0x0  }
0x1b: {  	[sflag:s14] =	ssyncadd.s32 $0xFFFFCE00  }
0x1c: {  	_ =	swait.ge [sflag:s14], $0x3200  }
0x1d: {  	[sflag:s14] =	ssyncset.done $0x0  }
0x1e: {  	[sflag:s14] =	ssyncadd.s32 $0xFFFFCE00  }
0x1f: {  	_ =	swait.ge [sflag:s14], $0x3200  }
0x20: {  	[sflag:s14] =	ssyncset.done $0x0  }
0x21: {  	[sflag:s14] =	ssyncadd.s32 $0xFFFFCE00  }
0x22: {  	_ =	swait.ge [sflag:s14], $0x3200  }
0x23: {  	s25 =	sadd.s32 $0x640, s16;
	[sflag:s14] =	ssyncset.done $0x0  }
0x24: {  	s15 =	sadd.s32 s15, s25;
	[sflag:s14] =	ssyncadd.s32 $0xFFFFCE00  }
0x25: {  	[tilespmem:s2], [sflag:$0x1] =	stream.linear.gather [hbm4b:s15+s2], $0x3200, $0x38;
	[tilespmem:$0x12C80] =	vst v63  }
0x26: {  	s16 =	sadd.s32 s17, s25  }
0x27: {  	[tilespmem:s5], [sflag:$0x1] =	stream.linear.gather [hbm4b:s16+s2], $0x3200, $0x38;
	[tilespmem:$0x12C80] =	vst v63  }
0x28: {  	s17 =	sadd.s32 s18, s25  }
0x29: {  	[tilespmem:s7], [sflag:$0x1] =	stream.linear.gather [hbm4b:s17+s2], $0x3200, $0x38;
	[tilespmem:$0x12C80] =	vst v63  }
0x2a: {  	s18 =	sadd.s32 s19, s25  }
0x2b: {  	[tilespmem:s9], [sflag:$0x1] =	stream.linear.gather [hbm4b:s18+s2], $0x3200, $0x38;
	[tilespmem:$0x12C80] =	vst v63  }
0x2c: {  	s19 =	sadd.s32 s20, s25  }
0x2d: {  	[tilespmem:s11], [sflag:$0x1] =	stream.linear.gather [hbm4b:s19+s2], $0x3200, $0x38;
	[tilespmem:$0x12C80] =	vst v63  }
0x2e: {  	s20 =	sadd.s32 s24, s25  }
0x2f: {  	[tilespmem:s13], [sflag:$0x1] =	stream.linear.gather [hbm4b:s20+s2], $0x3200, $0x38;
	[tilespmem:$0x12C80] =	vst v63  }
0x30: {  	_ =	swait.ge [sflag:s14], $0x3200  }
0x31: {  	[sflag:s14] =	ssyncset.done $0x0  }
0x32: {  	[sflag:s14] =	ssyncadd.s32 $0xFFFFCE00  }
0x33: {  	_ =	swait.ge [sflag:s14], $0x3200  }
0x34: {  	[sflag:s14] =	ssyncset.done $0x0  }
0x35: {  	[sflag:s14] =	ssyncadd.s32 $0xFFFFCE00  }
0x36: {  	_ =	swait.ge [sflag:s14], $0x3200  }
0x37: {  	[sflag:s14] =	ssyncset.done $0x0  }
0x38: {  	[sflag:s14] =	ssyncadd.s32 $0xFFFFCE00  }
0x39: {  	_ =	swait.ge [sflag:s14], $0x3200  }
0x3a: {  	[sflag:s14] =	ssyncset.done $0x0  }
0x3b: {  	[sflag:s14] =	ssyncadd.s32 $0xFFFFCE00  }
0x3c: {  	_ =	swait.ge [sflag:s14], $0x3200  }
0x3d: {  	[sflag:s14] =	ssyncset.done $0x0  }
0x3e: {  	[sflag:s14] =	ssyncadd.s32 $0xFFFFCE00  }
0x3f: {  	_ =	swait.ge [sflag:s14], $0x3200  }
0x40: {  	[sflag:s14] =	ssyncset.done $0x0  }
0x41: {  	s21 =	ssub.s32 $0x2, s21;
	[sflag:s14] =	ssyncadd.s32 $0xFFFFCE00  }
0x42: {  	s23 =	sshll.u32 s23, $0x1;
	s30 =	sshrl.u32 s21, $0x1;
	v0 =	vld [tilespmem:$0xFA00]  }
0x43: {  	s22 =	sadd.s32 s23, s22;
	s23 =	ssub.s32 s21, s30  }
0x44: {  	s31 =	smax.u32 s23, $0x1  }
0x45: {  	p0 =	sne.s32 s31, $0x1  }
.Ltmp0:
0x46: {  	_ = 	snop;
	(pc) =	sbr.rel @!p0 .LBB2_2-.Ltmp0, $4  }
0x47: {  	s21 =	sadd.s32 $0x96A00, s22;
	s23 =	simm.s32 $0x12C00;
	s22 =	simm.s32 $0x2;
	[tilespmem:$0x12C00] =	vst v0  }
0x48: {  	[hbm4b:s21+s2] =	stream.linear.scatter [tilespmem:s23], [sflag:$0x2], $0x10, $0x38;
	[tilespmem:$0x12C80] =	vst v63  }
0x49: {  	_ =	swait.ge [sflag:s22], $0x10  }
0x4a: {  	s24 =	sadd.s32 $0xFFFFFFFF, s31;
	[sflag:s22] =	ssyncset.done $0x0  }
.LBB2_1:
0x4b: {  	p0 =	sne.s32 s24, $0x1;
	s24 =	sadd.s32 $0xFFFFFFFF, s24;
	[sflag:s22] =	ssyncadd.s32 $0xFFFFFFF0  }
0x4c: {  	[tilespmem:s2], [sflag:$0x1] =	stream.linear.gather [hbm4b:s3+s2], $0x3200, $0x38;
	[tilespmem:$0x12C80] =	vst v63  }
0x4d: {  	_ = 	snop  }
0x4e: {  	[tilespmem:s5], [sflag:$0x1] =	stream.linear.gather [hbm4b:s4+s2], $0x3200, $0x38;
	[tilespmem:$0x12C80] =	vst v63  }
0x4f: {  	_ = 	snop  }
0x50: {  	[tilespmem:s7], [sflag:$0x1] =	stream.linear.gather [hbm4b:s6+s2], $0x3200, $0x38;
	[tilespmem:$0x12C80] =	vst v63  }
0x51: {  	_ = 	snop  }
0x52: {  	[tilespmem:s9], [sflag:$0x1] =	stream.linear.gather [hbm4b:s8+s2], $0x3200, $0x38;
	[tilespmem:$0x12C80] =	vst v63  }
0x53: {  	_ = 	snop  }
0x54: {  	[tilespmem:s11], [sflag:$0x1] =	stream.linear.gather [hbm4b:s10+s2], $0x3200, $0x38;
	[tilespmem:$0x12C80] =	vst v63  }
0x55: {  	_ = 	snop  }
0x56: {  	[tilespmem:s13], [sflag:$0x1] =	stream.linear.gather [hbm4b:s12+s2], $0x3200, $0x38;
	[tilespmem:$0x12C80] =	vst v63  }
0x57: {  	_ =	swait.ge [sflag:s14], $0x3200  }
0x58: {  	[sflag:s14] =	ssyncset.done $0x0  }
0x59: {  	[sflag:s14] =	ssyncadd.s32 $0xFFFFCE00  }
0x5a: {  	_ =	swait.ge [sflag:s14], $0x3200  }
0x5b: {  	[sflag:s14] =	ssyncset.done $0x0  }
0x5c: {  	[sflag:s14] =	ssyncadd.s32 $0xFFFFCE00  }
0x5d: {  	_ =	swait.ge [sflag:s14], $0x3200  }
0x5e: {  	[sflag:s14] =	ssyncset.done $0x0  }
0x5f: {  	[sflag:s14] =	ssyncadd.s32 $0xFFFFCE00  }
0x60: {  	_ =	swait.ge [sflag:s14], $0x3200  }
0x61: {  	[sflag:s14] =	ssyncset.done $0x0  }
0x62: {  	[sflag:s14] =	ssyncadd.s32 $0xFFFFCE00  }
0x63: {  	_ =	swait.ge [sflag:s14], $0x3200  }
0x64: {  	[sflag:s14] =	ssyncset.done $0x0  }
0x65: {  	[sflag:s14] =	ssyncadd.s32 $0xFFFFCE00  }
0x66: {  	_ =	swait.ge [sflag:s14], $0x3200  }
0x67: {  	[sflag:s14] =	ssyncset.done $0x0  }
0x68: {  	[sflag:s14] =	ssyncadd.s32 $0xFFFFCE00  }
0x69: {  	[tilespmem:s2], [sflag:$0x1] =	stream.linear.gather [hbm4b:s15+s2], $0x3200, $0x38;
	[tilespmem:$0x12C80] =	vst v63  }
0x6a: {  	_ = 	snop  }
0x6b: {  	[tilespmem:s5], [sflag:$0x1] =	stream.linear.gather [hbm4b:s16+s2], $0x3200, $0x38;
	[tilespmem:$0x12C80] =	vst v63  }
0x6c: {  	_ = 	snop  }
0x6d: {  	[tilespmem:s7], [sflag:$0x1] =	stream.linear.gather [hbm4b:s17+s2], $0x3200, $0x38;
	[tilespmem:$0x12C80] =	vst v63  }
0x6e: {  	_ = 	snop  }
0x6f: {  	[tilespmem:s9], [sflag:$0x1] =	stream.linear.gather [hbm4b:s18+s2], $0x3200, $0x38;
	[tilespmem:$0x12C80] =	vst v63  }
0x70: {  	_ = 	snop  }
0x71: {  	[tilespmem:s11], [sflag:$0x1] =	stream.linear.gather [hbm4b:s19+s2], $0x3200, $0x38;
	[tilespmem:$0x12C80] =	vst v63  }
0x72: {  	_ = 	snop  }
0x73: {  	[tilespmem:s13], [sflag:$0x1] =	stream.linear.gather [hbm4b:s20+s2], $0x3200, $0x38;
	[tilespmem:$0x12C80] =	vst v63  }
0x74: {  	_ =	swait.ge [sflag:s14], $0x3200  }
0x75: {  	[sflag:s14] =	ssyncset.done $0x0  }
0x76: {  	[sflag:s14] =	ssyncadd.s32 $0xFFFFCE00  }
0x77: {  	_ =	swait.ge [sflag:s14], $0x3200  }
0x78: {  	[sflag:s14] =	ssyncset.done $0x0  }
0x79: {  	[sflag:s14] =	ssyncadd.s32 $0xFFFFCE00  }
0x7a: {  	_ =	swait.ge [sflag:s14], $0x3200  }
0x7b: {  	[sflag:s14] =	ssyncset.done $0x0  }
0x7c: {  	[sflag:s14] =	ssyncadd.s32 $0xFFFFCE00  }
0x7d: {  	_ =	swait.ge [sflag:s14], $0x3200  }
0x7e: {  	[sflag:s14] =	ssyncset.done $0x0  }
0x7f: {  	[sflag:s14] =	ssyncadd.s32 $0xFFFFCE00  }
0x80: {  	_ =	swait.ge [sflag:s14], $0x3200  }
0x81: {  	[sflag:s14] =	ssyncset.done $0x0  }
0x82: {  	[sflag:s14] =	ssyncadd.s32 $0xFFFFCE00  }
0x83: {  	_ =	swait.ge [sflag:s14], $0x3200  }
0x84: {  	[sflag:s14] =	ssyncset.done $0x0  }
0x85: {  	[sflag:s14] =	ssyncadd.s32 $0xFFFFCE00  }
0x86: {  	v0 =	vld [tilespmem:$0xFA00];
	_ =	sdelay $0x3  }
.Ltmp1:
0x87: {  	(pc) =	sbr.rel @p0 .LBB2_1-.Ltmp1, $4  }
0x88: {  	[tilespmem:$0x12C00] =	vst v0  }
0x89: {  	[hbm4b:s21+s2] =	stream.linear.scatter [tilespmem:s23], [sflag:$0x2], $0x10, $0x38;
	[tilespmem:$0x12C80] =	vst v63  }
0x8a: {  	_ =	swait.ge [sflag:s22], $0x10  }
0x8b: {  	[sflag:s22] =	ssyncset.done $0x0  }
.LBB2_2:
0x8c: {  	[sflag:s22] =	ssyncadd.s32 $0xFFFFFFF0  }
0x8d: {  	_ =	sfence.sel $0x180000  }
0x8e: {  	[bflag:$0x0] =	sbarrier.arrive $0xFFFF  }
0x8f: {  	p0 =	sne.s32 s0, $0x0;
	_ =	strace $0x90000047  }
0x90: {  	s0 =	sadd.s32 @!p0 $0x100000, s1;
	[bflag:$0x2] =	sbarrier.arrive $0xFFFF  }
0x91: {  	[sflag:s0] =	ssyncadd.tile.s32 @!p0 $0x1;
	_ =	shalt  }
.Lfunc_end2:
_tile_overlayer_lowered:
.L_overlay_start_2:
0x92: {  	(tag) =	ssettag $0x2  }
0x93: {  	s0 =	rddreg [dreg:$0x0];
	s2 =	stileid.u32  }
0x94: {  	s1 =	rddreg [dreg:$0x1];
	p0 =	sne.s32 s2, $0x0  }
0x95: {  	s3 =	rddreg [dreg:$0x2];
	[bflag:$0x3] =	sbarrier.arrive $0xFFFF;
	s2 =	simm.s32 @!p0 $0x1C02  }
0x96: {  	[timem:s3], [sflag:s2] =	dma.local @!p0 [hbm:s0], s1  }
0x97: {  	s0 =	simm.s32 @!p0 $0x2  }
0x98: {  	_ =	swait.ge @!p0 [sflag:s0], s1  }
0x99: {  	s1 =	ssub.s32 @!p0 $0x0, s1;
	[sflag:s0] =	ssyncset.done @!p0 $0x0  }
0x9a: {  	[sflag:s0] =	ssyncadd.s32 @!p0 s1  }
0x9b: {  	[bflag:$0x3] =	sbarrier.arrive $0xFFFF  }
0x9c: {  	_ =	shalt  }

</sc_bundles>
